<compile_context>
chip_gen: v7x
topology: tpu7x:2x2x1
jax: 0.10.2.dev20260603
libtpu: 0.0.44.dev20260713+nightly
codegen_flags: <defaults>
</compile_context>

<pallas_src>
import functools

import jax
import jax.numpy as jnp
from jax import lax
from jax.experimental import pallas as pl
from jax.experimental.pallas import tpu as pltpu
from jax.experimental.pallas import tpu_sc as plsc

_D = 1024
_N = 8192
_S = 8
_B = 64
_K = 8

_NBLK = 512
_GRID = _N // _NBLK


def _tc_body(docs_ref, q_ref, wq_ref, bq_ref, wdoc_ref, bdoc_ref,
             vals_ref, idx_ref, qn_ref, sims_ref):
    i = pl.program_id(0)

    @pl.when(i == 0)
    def _():
        q = lax.dot_general(q_ref[...], wq_ref[...],
                            (((1,), (1,)), ((), ()))) + bq_ref[...]
        n2 = jnp.sum(q * q, axis=1, keepdims=True)
        qn_ref[...] = q / jnp.maximum(jnp.sqrt(n2), 1e-8)

    acc = docs_ref[:, 0, :]
    for s in range(1, _S):
        acc = acc + docs_ref[:, s, :]
    avg = acc * (1.0 / _S)

    demb = lax.dot_general(avg, wdoc_ref[...],
                           (((1,), (1,)), ((), ()))) + bdoc_ref[...]
    n2 = jnp.sum(demb * demb, axis=1, keepdims=True)
    demb = demb / jnp.maximum(jnp.sqrt(n2), 1e-8)

    s_blk = lax.dot_general(qn_ref[...], demb, (((1,), (1,)), ((), ())))
    sims_ref[:, pl.ds(i * _NBLK, _NBLK)] = s_blk

    @pl.when(i == _GRID - 1)
    def _():
        work = sims_ref[...]
        cols = lax.broadcasted_iota(jnp.int32, (_B, _N), 1)
        for k in range(_K):
            m = jnp.max(work, axis=1, keepdims=True)
            idx = jnp.min(jnp.where(work == m, cols, _N), axis=1,
                          keepdims=True)
            vals_ref[:, pl.ds(k, 1)] = m
            idx_ref[:, pl.ds(k, 1)] = idx
            work = jnp.where(cols == idx, -jnp.inf, work)


def _retrieve_tc(da_query, da_documents, W_q, b_q, W_doc, b_doc):
    return pl.pallas_call(
        _tc_body,
        grid=(_GRID,),
        in_specs=[
            pl.BlockSpec((_NBLK, _S, _D), lambda i: (i, 0, 0)),
            pl.BlockSpec((_B, _D), lambda i: (0, 0)),
            pl.BlockSpec((_D, _D), lambda i: (0, 0)),
            pl.BlockSpec((1, _D), lambda i: (0, 0)),
            pl.BlockSpec((_D, _D), lambda i: (0, 0)),
            pl.BlockSpec((1, _D), lambda i: (0, 0)),
        ],
        out_specs=[
            pl.BlockSpec((_B, _K), lambda i: (0, 0)),
            pl.BlockSpec((_B, _K), lambda i: (0, 0)),
        ],
        out_shape=[
            jax.ShapeDtypeStruct((_B, _K), jnp.float32),
            jax.ShapeDtypeStruct((_B, _K), jnp.int32),
        ],
        scratch_shapes=[
            pltpu.VMEM((_B, _D), jnp.float32),
            pltpu.VMEM((_B, _N), jnp.float32),
        ],
        compiler_params=pltpu.CompilerParams(
            dimension_semantics=("arbitrary",),
            vmem_limit_bytes=100 * 1024 * 1024),
    )(da_documents, da_query, W_q, b_q.reshape(1, _D), W_doc,
      b_doc.reshape(1, _D))


def _gather_docs_sc(docs, idx_flat):
    info = plsc.get_sparse_core_info()
    nc, ns = info.num_cores, info.num_subcores
    nw = nc * ns
    bpw = (_B * _K) // nw
    ch = 8
    mesh = plsc.VectorSubcoreMesh(core_axis_name="c", subcore_axis_name="s")

    @functools.partial(
        pl.kernel, mesh=mesh,
        out_type=jax.ShapeDtypeStruct((_B * _K, _S, _D), jnp.float32),
        scratch_types=[
            pltpu.VMEM((ch,), jnp.int32),
            pltpu.VMEM((ch, _S, _D), jnp.float32),
            pltpu.SemaphoreType.DMA,
        ],
    )
    def k(docs_hbm, idx_hbm, out_hbm, idx_v, rows_v, sem):
        wid = lax.axis_index("s") * nc + lax.axis_index("c")
        base = wid * bpw
        for c in range(bpw // ch):
            off = base + c * ch
            pltpu.sync_copy(idx_hbm.at[pl.ds(off, ch)], idx_v)
            pltpu.async_copy(docs_hbm.at[idx_v], rows_v, sem).wait()
            pltpu.sync_copy(rows_v, out_hbm.at[pl.ds(off, ch)])

    return k(docs, idx_flat)


def kernel(da_query, da_documents, W_q, b_q, W_doc, b_doc):
    top_vals, top_idx = _retrieve_tc(da_query, da_documents, W_q, b_q,
                                     W_doc, b_doc)
    rows = _gather_docs_sc(da_documents, top_idx.reshape(_B * _K))
    retrieved = rows.reshape(_B, _K, _S, _D)
    return retrieved, top_vals, top_idx

# --- scband reference (transcript-rebuilt; emitter-appended) ---
"""Pipeline reference for scband-orky-document-retriever-72164040507671 (READ-ONLY COPY).

The authoritative reference and input builder live on the scoring server;
editing this copy changes nothing except your own understanding.
"""

import jax, jax.numpy as jnp
import numpy as np

D_MODEL = 1024
N_DOCS = 8192
SEQ_LEN = 8
BATCH = 64
TOP_K = 8

def setup_inputs(seed: int = 0) -> dict:
    key = jax.random.key(seed)
    k1, k2, k3, k4, k5, k6 = jax.random.split(key, 6)
    da_query = jax.random.normal(k1, (BATCH, D_MODEL), dtype=jnp.float32)
    da_documents = jax.random.normal(k2, (N_DOCS, SEQ_LEN, D_MODEL), dtype=jnp.float32)
    s = 1.0 / np.sqrt(D_MODEL)
    W_q = jax.random.uniform(k3, (D_MODEL, D_MODEL), minval=-s, maxval=s, dtype=jnp.float32)
    b_q = jax.random.uniform(k4, (D_MODEL,), minval=-s, maxval=s, dtype=jnp.float32)
    W_doc = jax.random.uniform(k5, (D_MODEL, D_MODEL), minval=-s, maxval=s, dtype=jnp.float32)
    b_doc = jax.random.uniform(k6, (D_MODEL,), minval=-s, maxval=s, dtype=jnp.float32)
    return {"da_query": da_query, "da_documents": da_documents, "W_q": W_q, "b_q": b_q, "W_doc": W_doc, "b_doc": b_doc}

def reference(da_query, da_documents, W_q, b_q, W_doc, b_doc):
    # query embedding: nn.Linear(d, d)
    q = da_query @ W_q.T + b_q  # [B, d]
    # per-document mean over seq dim, then document embedding linear
    doc_avg = jnp.mean(da_documents, axis=1)  # [N, d]
    doc_emb = doc_avg @ W_doc.T + b_doc  # [N, d]
    # cosine similarity (matches torch.nn.CosineSimilarity with eps=1e-8)
    qn = q / jnp.clip(jnp.linalg.norm(q, axis=-1, keepdims=True), 1e-8)
    dn = doc_emb / jnp.clip(jnp.linalg.norm(doc_emb, axis=-1, keepdims=True), 1e-8)
    sims = qn @ dn.T  # [B, N]
    top_vals, top_idx = jax.lax.top_k(sims, TOP_K)  # [B, K]
    # gather retrieved documents: [B, K, seq_len, d]
    retrieved_docs = jnp.take(da_documents, top_idx, axis=0)
    return retrieved_docs, top_vals, top_idx

if __name__ == "__main__":
    import jax
    _d = setup_inputs()
    print(jax.jit(kernel)(*tuple(_d.values())))

</pallas_src>

<mosaic_0001>
#map = affine_map<(d0, d1) -> (0, 0, 0)>
#map1 = affine_map<(d0, d1) -> (0)>
module attributes {stable_mosaic.version = 14 : i64} {
  func.func @k(%arg0: i32, %arg1: i32, %arg2: memref<8192x8x1024xf32, #tpu.memory_space<hbm>>, %arg3: memref<512xi32, #tpu.memory_space<hbm>>, %arg4: memref<512x8x1024xf32, #tpu.memory_space<hbm>>, %arg5: memref<8xi32, #tpu.memory_space<vmem>>, %arg6: memref<8x8x1024xf32, #tpu.memory_space<vmem>>, %arg7: memref<!tpu.dma_semaphore, #tpu.memory_space<semaphore_mem>>) attributes {dimension_semantics = [#tpu.dimension_semantics<core_parallel>, #tpu.dimension_semantics<subcore_parallel>], iteration_bounds = array<i64: 2, 16>, scalar_prefetch = 0 : i64, scratch_operands = 3 : i64, tpu.core_type = #tpu.core_type<sc_vector_subcore>, window_params = [{transform_indices = #map}, {transform_indices = #map1}, {transform_indices = #map}]} {
    %mul3A = arith.constant 2 : i32
    %mul3A_0 = arith.muli %arg1, %mul3A : i32
    %add3A = arith.addi %mul3A_0, %arg0 : i32
    %mul3A_1 = arith.constant 16 : i32
    %mul3A_2 = arith.muli %add3A, %mul3A_1 : i32
    %add3A_3 = arith.constant 0 : i32
    %add3A_4 = arith.addi %mul3A_2, %add3A_3 : i32
    "tpu.region"() ({
      %run_scoped3A = tpu.sem_alloc : memref<!tpu.dma_semaphore, #tpu.memory_space<semaphore_mem>>
      %dma_start3A_21 = tpu.memref_slice %arg3[%add3A_4] : memref<512xi32, #tpu.memory_space<hbm>> -> memref<8xi32, #tpu.memory_space<hbm>>
      %dma_start3A_22 = tpu.memref_slice %arg3[%add3A_4] : memref<512xi32, #tpu.memory_space<hbm>> -> memref<8xi32, #tpu.memory_space<hbm>>
      tpu.enqueue_dma source(%dma_start3A_22 : memref<8xi32, #tpu.memory_space<hbm>>) target(%arg5 : memref<8xi32, #tpu.memory_space<vmem>>) target_semaphore(%run_scoped3A : memref<!tpu.dma_semaphore, #tpu.memory_space<semaphore_mem>>)
      %dma_wait3A_23 = tpu.memref_slice %arg3[%add3A_4] : memref<512xi32, #tpu.memory_space<hbm>> -> memref<8xi32, #tpu.memory_space<hbm>>
      %dma_wait3A_24 = tpu.memref_slice %arg3[%add3A_4] : memref<512xi32, #tpu.memory_space<hbm>> -> memref<8xi32, #tpu.memory_space<hbm>>
      tpu.wait_dma2 semaphore(%run_scoped3A : memref<!tpu.dma_semaphore, #tpu.memory_space<semaphore_mem>>) src(%dma_wait3A_24 : memref<8xi32, #tpu.memory_space<hbm>>) dst(%arg5 : memref<8xi32, #tpu.memory_space<vmem>>)
      tpu.yield
    }) : () -> ()
    %dma_start3A = arith.constant 0 : i32
    %dma_start3A_5 = arith.constant 0 : i32
    %dma_start3A_6 = arith.constant 0 : i32
    %dma_start3A_7 = tpu.memref_slice %arg2[%dma_start3A, %dma_start3A_5, %dma_start3A_6] : memref<8192x8x1024xf32, #tpu.memory_space<hbm>> -> memref<8192x8x1024xf32, #tpu.memory_space<hbm>>
    tpu.enqueue_indirect_dma source(%dma_start3A_7 : memref<8192x8x1024xf32, #tpu.memory_space<hbm>>) target(%arg6 : memref<8x8x1024xf32, #tpu.memory_space<vmem>>) offsets(%arg5 : memref<8xi32, #tpu.memory_space<vmem>>) semaphore(%arg7 : memref<!tpu.dma_semaphore, #tpu.memory_space<semaphore_mem>>)
    %dma_wait3A = arith.constant 0 : i32
    %dma_wait3A_8 = arith.constant 0 : i32
    %dma_wait3A_9 = arith.constant 0 : i32
    %dma_wait3A_10 = tpu.memref_slice %arg2[%dma_wait3A, %dma_wait3A_8, %dma_wait3A_9] : memref<8192x8x1024xf32, #tpu.memory_space<hbm>> -> memref<8192x8x1024xf32, #tpu.memory_space<hbm>>
    tpu.wait_indirect_dma semaphore(%arg7 : memref<!tpu.dma_semaphore, #tpu.memory_space<semaphore_mem>>) src(%dma_wait3A_10 : memref<8192x8x1024xf32, #tpu.memory_space<hbm>>) dst(%arg6 : memref<8x8x1024xf32, #tpu.memory_space<vmem>>)
    "tpu.region"() ({
      %run_scoped3A = tpu.sem_alloc : memref<!tpu.dma_semaphore, #tpu.memory_space<semaphore_mem>>
      %dma_start3A_21 = arith.constant 0 : i32
      %dma_start3A_22 = arith.constant 0 : i32
      %dma_start3A_23 = tpu.memref_slice %arg4[%add3A_4, %dma_start3A_21, %dma_start3A_22] : memref<512x8x1024xf32, #tpu.memory_space<hbm>> -> memref<8x8x1024xf32, #tpu.memory_space<hbm>>
      %dma_start3A_24 = arith.constant 0 : i32
      %dma_start3A_25 = arith.constant 0 : i32
      %dma_start3A_26 = tpu.memref_slice %arg4[%add3A_4, %dma_start3A_24, %dma_start3A_25] : memref<512x8x1024xf32, #tpu.memory_space<hbm>> -> memref<8x8x1024xf32, #tpu.memory_space<hbm>>
      tpu.enqueue_dma source(%arg6 : memref<8x8x1024xf32, #tpu.memory_space<vmem>>) target(%dma_start3A_26 : memref<8x8x1024xf32, #tpu.memory_space<hbm>>) target_semaphore(%run_scoped3A : memref<!tpu.dma_semaphore, #tpu.memory_space<semaphore_mem>>)
      %dma_wait3A_27 = arith.constant 0 : i32
      %dma_wait3A_28 = arith.constant 0 : i32
      %dma_wait3A_29 = tpu.memref_slice %arg4[%add3A_4, %dma_wait3A_27, %dma_wait3A_28] : memref<512x8x1024xf32, #tpu.memory_space<hbm>> -> memref<8x8x1024xf32, #tpu.memory_space<hbm>>
      %dma_wait3A_30 = arith.constant 0 : i32
      %dma_wait3A_31 = arith.constant 0 : i32
      %dma_wait3A_32 = tpu.memref_slice %arg4[%add3A_4, %dma_wait3A_30, %dma_wait3A_31] : memref<512x8x1024xf32, #tpu.memory_space<hbm>> -> memref<8x8x1024xf32, #tpu.memory_space<hbm>>
      tpu.wait_dma2 semaphore(%run_scoped3A : memref<!tpu.dma_semaphore, #tpu.memory_space<semaphore_mem>>) src(%arg6 : memref<8x8x1024xf32, #tpu.memory_space<vmem>>) dst(%dma_wait3A_32 : memref<8x8x1024xf32, #tpu.memory_space<hbm>>)
      tpu.yield
    }) : () -> ()
    %add3A_11 = arith.constant 8 : i32
    %add3A_12 = arith.addi %mul3A_2, %add3A_11 : i32
    "tpu.region"() ({
      %run_scoped3A = tpu.sem_alloc : memref<!tpu.dma_semaphore, #tpu.memory_space<semaphore_mem>>
      %dma_start3A_21 = tpu.memref_slice %arg3[%add3A_12] : memref<512xi32, #tpu.memory_space<hbm>> -> memref<8xi32, #tpu.memory_space<hbm>>
      %dma_start3A_22 = tpu.memref_slice %arg3[%add3A_12] : memref<512xi32, #tpu.memory_space<hbm>> -> memref<8xi32, #tpu.memory_space<hbm>>
      tpu.enqueue_dma source(%dma_start3A_22 : memref<8xi32, #tpu.memory_space<hbm>>) target(%arg5 : memref<8xi32, #tpu.memory_space<vmem>>) target_semaphore(%run_scoped3A : memref<!tpu.dma_semaphore, #tpu.memory_space<semaphore_mem>>)
      %dma_wait3A_23 = tpu.memref_slice %arg3[%add3A_12] : memref<512xi32, #tpu.memory_space<hbm>> -> memref<8xi32, #tpu.memory_space<hbm>>
      %dma_wait3A_24 = tpu.memref_slice %arg3[%add3A_12] : memref<512xi32, #tpu.memory_space<hbm>> -> memref<8xi32, #tpu.memory_space<hbm>>
      tpu.wait_dma2 semaphore(%run_scoped3A : memref<!tpu.dma_semaphore, #tpu.memory_space<semaphore_mem>>) src(%dma_wait3A_24 : memref<8xi32, #tpu.memory_space<hbm>>) dst(%arg5 : memref<8xi32, #tpu.memory_space<vmem>>)
      tpu.yield
    }) : () -> ()
    %dma_start3A_13 = arith.constant 0 : i32
    %dma_start3A_14 = arith.constant 0 : i32
    %dma_start3A_15 = arith.constant 0 : i32
    %dma_start3A_16 = tpu.memref_slice %arg2[%dma_start3A_13, %dma_start3A_14, %dma_start3A_15] : memref<8192x8x1024xf32, #tpu.memory_space<hbm>> -> memref<8192x8x1024xf32, #tpu.memory_space<hbm>>
    tpu.enqueue_indirect_dma source(%dma_start3A_16 : memref<8192x8x1024xf32, #tpu.memory_space<hbm>>) target(%arg6 : memref<8x8x1024xf32, #tpu.memory_space<vmem>>) offsets(%arg5 : memref<8xi32, #tpu.memory_space<vmem>>) semaphore(%arg7 : memref<!tpu.dma_semaphore, #tpu.memory_space<semaphore_mem>>)
    %dma_wait3A_17 = arith.constant 0 : i32
    %dma_wait3A_18 = arith.constant 0 : i32
    %dma_wait3A_19 = arith.constant 0 : i32
    %dma_wait3A_20 = tpu.memref_slice %arg2[%dma_wait3A_17, %dma_wait3A_18, %dma_wait3A_19] : memref<8192x8x1024xf32, #tpu.memory_space<hbm>> -> memref<8192x8x1024xf32, #tpu.memory_space<hbm>>
    tpu.wait_indirect_dma semaphore(%arg7 : memref<!tpu.dma_semaphore, #tpu.memory_space<semaphore_mem>>) src(%dma_wait3A_20 : memref<8192x8x1024xf32, #tpu.memory_space<hbm>>) dst(%arg6 : memref<8x8x1024xf32, #tpu.memory_space<vmem>>)
    "tpu.region"() ({
      %run_scoped3A = tpu.sem_alloc : memref<!tpu.dma_semaphore, #tpu.memory_space<semaphore_mem>>
      %dma_start3A_21 = arith.constant 0 : i32
      %dma_start3A_22 = arith.constant 0 : i32
      %dma_start3A_23 = tpu.memref_slice %arg4[%add3A_12, %dma_start3A_21, %dma_start3A_22] : memref<512x8x1024xf32, #tpu.memory_space<hbm>> -> memref<8x8x1024xf32, #tpu.memory_space<hbm>>
      %dma_start3A_24 = arith.constant 0 : i32
      %dma_start3A_25 = arith.constant 0 : i32
      %dma_start3A_26 = tpu.memref_slice %arg4[%add3A_12, %dma_start3A_24, %dma_start3A_25] : memref<512x8x1024xf32, #tpu.memory_space<hbm>> -> memref<8x8x1024xf32, #tpu.memory_space<hbm>>
      tpu.enqueue_dma source(%arg6 : memref<8x8x1024xf32, #tpu.memory_space<vmem>>) target(%dma_start3A_26 : memref<8x8x1024xf32, #tpu.memory_space<hbm>>) target_semaphore(%run_scoped3A : memref<!tpu.dma_semaphore, #tpu.memory_space<semaphore_mem>>)
      %dma_wait3A_27 = arith.constant 0 : i32
      %dma_wait3A_28 = arith.constant 0 : i32
      %dma_wait3A_29 = tpu.memref_slice %arg4[%add3A_12, %dma_wait3A_27, %dma_wait3A_28] : memref<512x8x1024xf32, #tpu.memory_space<hbm>> -> memref<8x8x1024xf32, #tpu.memory_space<hbm>>
      %dma_wait3A_30 = arith.constant 0 : i32
      %dma_wait3A_31 = arith.constant 0 : i32
      %dma_wait3A_32 = tpu.memref_slice %arg4[%add3A_12, %dma_wait3A_30, %dma_wait3A_31] : memref<512x8x1024xf32, #tpu.memory_space<hbm>> -> memref<8x8x1024xf32, #tpu.memory_space<hbm>>
      tpu.wait_dma2 semaphore(%run_scoped3A : memref<!tpu.dma_semaphore, #tpu.memory_space<semaphore_mem>>) src(%arg6 : memref<8x8x1024xf32, #tpu.memory_space<vmem>>) dst(%dma_wait3A_32 : memref<8x8x1024xf32, #tpu.memory_space<hbm>>)
      tpu.yield
    }) : () -> ()
    return
  }
}

module attributes {stable_mosaic.version = 14 : i64} {
  func.func @_tc_body(%arg0: i32, %arg1: memref<512x8x1024xf32, #tpu.memory_space<vmem>>, %arg2: memref<64x1024xf32, #tpu.memory_space<vmem>>, %arg3: memref<1024x1024xf32, #tpu.memory_space<vmem>>, %arg4: memref<1x1024xf32, #tpu.memory_space<vmem>>, %arg5: memref<1024x1024xf32, #tpu.memory_space<vmem>>, %arg6: memref<1x1024xf32, #tpu.memory_space<vmem>>, %arg7: memref<64x8xf32, #tpu.memory_space<vmem>>, %arg8: memref<64x8xi32, #tpu.memory_space<vmem>>, %arg9: memref<64x1024xf32, #tpu.memory_space<vmem>>, %arg10: memref<64x8192xf32, #tpu.memory_space<vmem>>) attributes {dimension_semantics = [#tpu.dimension_semantics<arbitrary>], iteration_bounds = array<i64: 16>, scalar_prefetch = 0 : i64, scratch_operands = 2 : i64, tpu.core_type = #tpu.core_type<tc>, window_params = [{transform_indices = @transform_0, window_bounds = array<i64: 512, 8, 1024>}, {pipeline_mode = #tpu.pipeline_mode<synchronous>, transform_indices = @transform_1, window_bounds = array<i64: 64, 1024>}, {pipeline_mode = #tpu.pipeline_mode<synchronous>, transform_indices = @transform_2, window_bounds = array<i64: 1024, 1024>}, {pipeline_mode = #tpu.pipeline_mode<synchronous>, transform_indices = @transform_3, window_bounds = array<i64: 1, 1024>}, {pipeline_mode = #tpu.pipeline_mode<synchronous>, transform_indices = @transform_4, window_bounds = array<i64: 1024, 1024>}, {pipeline_mode = #tpu.pipeline_mode<synchronous>, transform_indices = @transform_5, window_bounds = array<i64: 1, 1024>}, {pipeline_mode = #tpu.pipeline_mode<synchronous>, transform_indices = @transform_6, window_bounds = array<i64: 64, 8>}, {pipeline_mode = #tpu.pipeline_mode<synchronous>, transform_indices = @transform_7, window_bounds = array<i64: 64, 8>}]} {
    %eq3A = arith.constant 0 : i32
    %eq3A_0 = arith.cmpi eq, %arg0, %eq3A : i32
    %convert_element_type3A = arith.extui %eq3A_0 : i1 to i32
    %cond3A = arith.constant 0 : i32
    %cond3A_1 = arith.cmpi ne, %convert_element_type3A, %cond3A : i32
    scf.if %cond3A_1 {
      %get3A_77 = arith.constant 0 : index
      %get3A_78 = arith.constant 0 : index
      %get3A_79 = vector.load %arg2[%get3A_77, %get3A_78] : memref<64x1024xf32, #tpu.memory_space<vmem>>, vector<64x1024xf32>
      %get3A_80 = arith.constant 0 : index
      %get3A_81 = arith.constant 0 : index
      %get3A_82 = vector.load %arg3[%get3A_80, %get3A_81] : memref<1024x1024xf32, #tpu.memory_space<vmem>>, vector<1024x1024xf32>
      %dot_general3A_83 = arith.constant dense<0.000000e+00> : vector<64x1024xf32>
      %dot_general3A_84 = tpu.matmul %get3A_79, %get3A_82, %dot_general3A_83 {dimension_numbers = #tpu.dot_dimension_numbers<[1], [1], [0], [0], [0, 0, 1, 0], [], []>, transpose_lhs_hint = false} : vector<64x1024xf32>, vector<1024x1024xf32>, vector<64x1024xf32> -> vector<64x1024xf32>
      %get3A_85 = arith.constant 0 : index
      %get3A_86 = arith.constant 0 : index
      %get3A_87 = vector.load %arg4[%get3A_85, %get3A_86] : memref<1x1024xf32, #tpu.memory_space<vmem>>, vector<1x1024xf32>
      %add3A_88 = vector.broadcast %get3A_87 : vector<1x1024xf32> to vector<64x1024xf32>
      %add3A_89 = arith.addf %dot_general3A_84, %add3A_88 : vector<64x1024xf32>
      %mul3A_90 = arith.mulf %add3A_89, %add3A_89 : vector<64x1024xf32>
      %reduce_sum3A_91 = arith.constant dense<0.000000e+00> : vector<64xf32>
      %reduce_sum3A_92 = vector.multi_reduction <add>, %mul3A_90, %reduce_sum3A_91 [1] : vector<64x1024xf32> to vector<64xf32>
      %broadcast_in_dim3A_93 = vector.shape_cast %reduce_sum3A_92 : vector<64xf32> to vector<64x1xf32>
      %sqrt3A_94 = math.sqrt %broadcast_in_dim3A_93 : vector<64x1xf32>
      %max3A_95 = arith.constant 9.99999993E-9 : f32
      %max3A_96 = vector.broadcast %max3A_95 : f32 to vector<64x1xf32>
      %max3A_97 = arith.maximumf %sqrt3A_94, %max3A_96 : vector<64x1xf32>
      %div3A_98 = vector.broadcast %max3A_97 : vector<64x1xf32> to vector<64x1024xf32>
      %div3A_99 = arith.divf %add3A_89, %div3A_98 : vector<64x1024xf32>
      %swap3A_100 = arith.constant 0 : index
      %swap3A_101 = arith.constant 0 : index
      %swap3A_102 = vector.load %arg9[%swap3A_100, %swap3A_101] : memref<64x1024xf32, #tpu.memory_space<vmem>>, vector<64x1024xf32>
      tpu.vector_store %arg9[%swap3A_100, %swap3A_101], %div3A_99 {strides = array<i32>} : memref<64x1024xf32, #tpu.memory_space<vmem>>, vector<64x1024xf32>,
    } else {
    }
    %get3A = arith.constant 0 : index
    %get3A_2 = arith.constant 0 : index
    %get3A_3 = arith.constant 0 : index
    %get3A_4 = vector.load %arg1[%get3A, %get3A_2, %get3A_3] : memref<512x8x1024xf32, #tpu.memory_space<vmem>>, vector<512x1x1024xf32>
    %get3A_5 = vector.shape_cast %get3A_4 : vector<512x1x1024xf32> to vector<512x1024xf32>
    %get3A_6 = arith.constant 0 : index
    %get3A_7 = arith.constant 1 : index
    %get3A_8 = arith.constant 0 : index
    %get3A_9 = vector.load %arg1[%get3A_6, %get3A_7, %get3A_8] : memref<512x8x1024xf32, #tpu.memory_space<vmem>>, vector<512x1x1024xf32>
    %get3A_10 = vector.shape_cast %get3A_9 : vector<512x1x1024xf32> to vector<512x1024xf32>
    %add3A = arith.addf %get3A_5, %get3A_10 : vector<512x1024xf32>
    %get3A_11 = arith.constant 0 : index
    %get3A_12 = arith.constant 2 : index
    %get3A_13 = arith.constant 0 : index
    %get3A_14 = vector.load %arg1[%get3A_11, %get3A_12, %get3A_13] : memref<512x8x1024xf32, #tpu.memory_space<vmem>>, vector<512x1x1024xf32>
    %get3A_15 = vector.shape_cast %get3A_14 : vector<512x1x1024xf32> to vector<512x1024xf32>
    %add3A_16 = arith.addf %add3A, %get3A_15 : vector<512x1024xf32>
    %get3A_17 = arith.constant 0 : index
    %get3A_18 = arith.constant 3 : index
    %get3A_19 = arith.constant 0 : index
    %get3A_20 = vector.load %arg1[%get3A_17, %get3A_18, %get3A_19] : memref<512x8x1024xf32, #tpu.memory_space<vmem>>, vector<512x1x1024xf32>
    %get3A_21 = vector.shape_cast %get3A_20 : vector<512x1x1024xf32> to vector<512x1024xf32>
    %add3A_22 = arith.addf %add3A_16, %get3A_21 : vector<512x1024xf32>
    %get3A_23 = arith.constant 0 : index
    %get3A_24 = arith.constant 4 : index
    %get3A_25 = arith.constant 0 : index
    %get3A_26 = vector.load %arg1[%get3A_23, %get3A_24, %get3A_25] : memref<512x8x1024xf32, #tpu.memory_space<vmem>>, vector<512x1x1024xf32>
    %get3A_27 = vector.shape_cast %get3A_26 : vector<512x1x1024xf32> to vector<512x1024xf32>
    %add3A_28 = arith.addf %add3A_22, %get3A_27 : vector<512x1024xf32>
    %get3A_29 = arith.constant 0 : index
    %get3A_30 = arith.constant 5 : index
    %get3A_31 = arith.constant 0 : index
    %get3A_32 = vector.load %arg1[%get3A_29, %get3A_30, %get3A_31] : memref<512x8x1024xf32, #tpu.memory_space<vmem>>, vector<512x1x1024xf32>
    %get3A_33 = vector.shape_cast %get3A_32 : vector<512x1x1024xf32> to vector<512x1024xf32>
    %add3A_34 = arith.addf %add3A_28, %get3A_33 : vector<512x1024xf32>
    %get3A_35 = arith.constant 0 : index
    %get3A_36 = arith.constant 6 : index
    %get3A_37 = arith.constant 0 : index
    %get3A_38 = vector.load %arg1[%get3A_35, %get3A_36, %get3A_37] : memref<512x8x1024xf32, #tpu.memory_space<vmem>>, vector<512x1x1024xf32>
    %get3A_39 = vector.shape_cast %get3A_38 : vector<512x1x1024xf32> to vector<512x1024xf32>
    %add3A_40 = arith.addf %add3A_34, %get3A_39 : vector<512x1024xf32>
    %get3A_41 = arith.constant 0 : index
    %get3A_42 = arith.constant 7 : index
    %get3A_43 = arith.constant 0 : index
    %get3A_44 = vector.load %arg1[%get3A_41, %get3A_42, %get3A_43] : memref<512x8x1024xf32, #tpu.memory_space<vmem>>, vector<512x1x1024xf32>
    %get3A_45 = vector.shape_cast %get3A_44 : vector<512x1x1024xf32> to vector<512x1024xf32>
    %add3A_46 = arith.addf %add3A_40, %get3A_45 : vector<512x1024xf32>
    %mul3A = arith.constant 1.250000e-01 : f32
    %mul3A_47 = vector.broadcast %mul3A : f32 to vector<512x1024xf32>
    %mul3A_48 = arith.mulf %add3A_46, %mul3A_47 : vector<512x1024xf32>
    %get3A_49 = arith.constant 0 : index
    %get3A_50 = arith.constant 0 : index
    %get3A_51 = vector.load %arg5[%get3A_49, %get3A_50] : memref<1024x1024xf32, #tpu.memory_space<vmem>>, vector<1024x1024xf32>
    %dot_general3A = arith.constant dense<0.000000e+00> : vector<512x1024xf32>
    %dot_general3A_52 = tpu.matmul %mul3A_48, %get3A_51, %dot_general3A {dimension_numbers = #tpu.dot_dimension_numbers<[1], [1], [0], [0], [0, 0, 1, 0], [], []>, transpose_lhs_hint = false} : vector<512x1024xf32>, vector<1024x1024xf32>, vector<512x1024xf32> -> vector<512x1024xf32>
    %get3A_53 = arith.constant 0 : index
    %get3A_54 = arith.constant 0 : index
    %get3A_55 = vector.load %arg6[%get3A_53, %get3A_54] : memref<1x1024xf32, #tpu.memory_space<vmem>>, vector<1x1024xf32>
    %add3A_56 = vector.broadcast %get3A_55 : vector<1x1024xf32> to vector<512x1024xf32>
    %add3A_57 = arith.addf %dot_general3A_52, %add3A_56 : vector<512x1024xf32>
    %mul3A_58 = arith.mulf %add3A_57, %add3A_57 : vector<512x1024xf32>
    %reduce_sum3A = arith.constant dense<0.000000e+00> : vector<512xf32>
    %reduce_sum3A_59 = vector.multi_reduction <add>, %mul3A_58, %reduce_sum3A [1] : vector<512x1024xf32> to vector<512xf32>
    %broadcast_in_dim3A = vector.shape_cast %reduce_sum3A_59 : vector<512xf32> to vector<512x1xf32>
    %sqrt3A = math.sqrt %broadcast_in_dim3A : vector<512x1xf32>
    %max3A = arith.constant 9.99999993E-9 : f32
    %max3A_60 = vector.broadcast %max3A : f32 to vector<512x1xf32>
    %max3A_61 = arith.maximumf %sqrt3A, %max3A_60 : vector<512x1xf32>
    %div3A = vector.broadcast %max3A_61 : vector<512x1xf32> to vector<512x1024xf32>
    %div3A_62 = arith.divf %add3A_57, %div3A : vector<512x1024xf32>
    %get3A_63 = arith.constant 0 : index
    %get3A_64 = arith.constant 0 : index
    %get3A_65 = vector.load %arg9[%get3A_63, %get3A_64] : memref<64x1024xf32, #tpu.memory_space<vmem>>, vector<64x1024xf32>
    %dot_general3A_66 = arith.constant dense<0.000000e+00> : vector<64x512xf32>
    %dot_general3A_67 = tpu.matmul %get3A_65, %div3A_62, %dot_general3A_66 {dimension_numbers = #tpu.dot_dimension_numbers<[1], [1], [0], [0], [0, 0, 1, 0], [], []>, transpose_lhs_hint = false} : vector<64x1024xf32>, vector<512x1024xf32>, vector<64x512xf32> -> vector<64x512xf32>
    %mul3A_68 = arith.constant 512 : i32
    %mul3A_69 = arith.muli %arg0, %mul3A_68 : i32
    %swap3A = arith.constant 0 : index
    %swap3A_70 = arith.index_cast %mul3A_69 : i32 to index
    %swap3A_71 = vector.load %arg10[%swap3A, %swap3A_70] : memref<64x8192xf32, #tpu.memory_space<vmem>>, vector<64x512xf32>
    tpu.vector_store %arg10[%swap3A, %swap3A_70], %dot_general3A_67 {strides = array<i32>} : memref<64x8192xf32, #tpu.memory_space<vmem>>, vector<64x512xf32>,
    %eq3A_72 = arith.constant 15 : i32
    %eq3A_73 = arith.cmpi eq, %arg0, %eq3A_72 : i32
    %convert_element_type3A_74 = arith.extui %eq3A_73 : i1 to i32
    %cond3A_75 = arith.constant 0 : i32
    %cond3A_76 = arith.cmpi ne, %convert_element_type3A_74, %cond3A_75 : i32
    scf.if %cond3A_76 {
      %get3A_77 = arith.constant 0 : index
      %get3A_78 = arith.constant 0 : index
      %get3A_79 = vector.load %arg10[%get3A_77, %get3A_78] : memref<64x8192xf32, #tpu.memory_space<vmem>>, vector<64x8192xf32>
      %iota3A = tpu.iota {dimensions = array<i32: 1>} : vector<64x8192xi32>
      %reduce_max3A = arith.constant dense<0xFF800000> : vector<64xf32>
      %reduce_max3A_80 = vector.multi_reduction <maximumf>, %get3A_79, %reduce_max3A [1] : vector<64x8192xf32> to vector<64xf32>
      %broadcast_in_dim3A_81 = vector.shape_cast %reduce_max3A_80 : vector<64xf32> to vector<64x1xf32>
      %eq3A_82 = vector.broadcast %broadcast_in_dim3A_81 : vector<64x1xf32> to vector<64x8192xf32>
      %eq3A_83 = arith.cmpf oeq, %get3A_79, %eq3A_82 : vector<64x8192xf32>
      %jit3A = arith.constant 8192 : i32
      %broadcast_in_dim3A_84 = vector.broadcast %jit3A : i32 to vector<64x8192xi32>
      %select_n3A = arith.select %eq3A_83, %iota3A, %broadcast_in_dim3A_84 : vector<64x8192xi1>, vector<64x8192xi32>
      %reduce_min3A = arith.constant dense<2147483647> : vector<64xi32>
      %reduce_min3A_85 = vector.multi_reduction <minsi>, %select_n3A, %reduce_min3A [1] : vector<64x8192xi32> to vector<64xi32>
      %broadcast_in_dim3A_86 = vector.shape_cast %reduce_min3A_85 : vector<64xi32> to vector<64x1xi32>
      %swap3A_87 = arith.constant 0 : index
      %swap3A_88 = arith.constant 0 : index
      %swap3A_89 = vector.load %arg7[%swap3A_87, %swap3A_88] : memref<64x8xf32, #tpu.memory_space<vmem>>, vector<64x1xf32>
      tpu.vector_store %arg7[%swap3A_87, %swap3A_88], %broadcast_in_dim3A_81 {strides = array<i32>} : memref<64x8xf32, #tpu.memory_space<vmem>>, vector<64x1xf32>,
      %swap3A_90 = arith.constant 0 : index
      %swap3A_91 = arith.constant 0 : index
      %swap3A_92 = vector.load %arg8[%swap3A_90, %swap3A_91] : memref<64x8xi32, #tpu.memory_space<vmem>>, vector<64x1xi32>
      tpu.vector_store %arg8[%swap3A_90, %swap3A_91], %broadcast_in_dim3A_86 {strides = array<i32>} : memref<64x8xi32, #tpu.memory_space<vmem>>, vector<64x1xi32>,
      %eq3A_93 = vector.broadcast %broadcast_in_dim3A_86 : vector<64x1xi32> to vector<64x8192xi32>
      %eq3A_94 = arith.cmpi eq, %iota3A, %eq3A_93 : vector<64x8192xi32>
      %jit3A_95 = arith.constant 0xFF800000 : f32
      %broadcast_in_dim3A_96 = vector.broadcast %jit3A_95 : f32 to vector<64x8192xf32>
      %select_n3A_97 = arith.select %eq3A_94, %broadcast_in_dim3A_96, %get3A_79 : vector<64x8192xi1>, vector<64x8192xf32>
      %reduce_max3A_98 = arith.constant dense<0xFF800000> : vector<64xf32>
      %reduce_max3A_99 = vector.multi_reduction <maximumf>, %select_n3A_97, %reduce_max3A_98 [1] : vector<64x8192xf32> to vector<64xf32>
      %broadcast_in_dim3A_100 = vector.shape_cast %reduce_max3A_99 : vector<64xf32> to vector<64x1xf32>
      %eq3A_101 = vector.broadcast %broadcast_in_dim3A_100 : vector<64x1xf32> to vector<64x8192xf32>
      %eq3A_102 = arith.cmpf oeq, %select_n3A_97, %eq3A_101 : vector<64x8192xf32>
      %jit3A_103 = arith.constant 8192 : i32
      %broadcast_in_dim3A_104 = vector.broadcast %jit3A_103 : i32 to vector<64x8192xi32>
      %select_n3A_105 = arith.select %eq3A_102, %iota3A, %broadcast_in_dim3A_104 : vector<64x8192xi1>, vector<64x8192xi32>
      %reduce_min3A_106 = arith.constant dense<2147483647> : vector<64xi32>
      %reduce_min3A_107 = vector.multi_reduction <minsi>, %select_n3A_105, %reduce_min3A_106 [1] : vector<64x8192xi32> to vector<64xi32>
      %broadcast_in_dim3A_108 = vector.shape_cast %reduce_min3A_107 : vector<64xi32> to vector<64x1xi32>
      %swap3A_109 = arith.constant 0 : index
      %swap3A_110 = arith.constant 1 : index
      %swap3A_111 = vector.load %arg7[%swap3A_109, %swap3A_110] : memref<64x8xf32, #tpu.memory_space<vmem>>, vector<64x1xf32>
      tpu.vector_store %arg7[%swap3A_109, %swap3A_110], %broadcast_in_dim3A_100 {strides = array<i32>} : memref<64x8xf32, #tpu.memory_space<vmem>>, vector<64x1xf32>,
      %swap3A_112 = arith.constant 0 : index
      %swap3A_113 = arith.constant 1 : index
      %swap3A_114 = vector.load %arg8[%swap3A_112, %swap3A_113] : memref<64x8xi32, #tpu.memory_space<vmem>>, vector<64x1xi32>
      tpu.vector_store %arg8[%swap3A_112, %swap3A_113], %broadcast_in_dim3A_108 {strides = array<i32>} : memref<64x8xi32, #tpu.memory_space<vmem>>, vector<64x1xi32>,
      %eq3A_115 = vector.broadcast %broadcast_in_dim3A_108 : vector<64x1xi32> to vector<64x8192xi32>
      %eq3A_116 = arith.cmpi eq, %iota3A, %eq3A_115 : vector<64x8192xi32>
      %jit3A_117 = arith.constant 0xFF800000 : f32
      %broadcast_in_dim3A_118 = vector.broadcast %jit3A_117 : f32 to vector<64x8192xf32>
      %select_n3A_119 = arith.select %eq3A_116, %broadcast_in_dim3A_118, %select_n3A_97 : vector<64x8192xi1>, vector<64x8192xf32>
      %reduce_max3A_120 = arith.constant dense<0xFF800000> : vector<64xf32>
      %reduce_max3A_121 = vector.multi_reduction <maximumf>, %select_n3A_119, %reduce_max3A_120 [1] : vector<64x8192xf32> to vector<64xf32>
      %broadcast_in_dim3A_122 = vector.shape_cast %reduce_max3A_121 : vector<64xf32> to vector<64x1xf32>
      %eq3A_123 = vector.broadcast %broadcast_in_dim3A_122 : vector<64x1xf32> to vector<64x8192xf32>
      %eq3A_124 = arith.cmpf oeq, %select_n3A_119, %eq3A_123 : vector<64x8192xf32>
      %jit3A_125 = arith.constant 8192 : i32
      %broadcast_in_dim3A_126 = vector.broadcast %jit3A_125 : i32 to vector<64x8192xi32>
      %select_n3A_127 = arith.select %eq3A_124, %iota3A, %broadcast_in_dim3A_126 : vector<64x8192xi1>, vector<64x8192xi32>
      %reduce_min3A_128 = arith.constant dense<2147483647> : vector<64xi32>
      %reduce_min3A_129 = vector.multi_reduction <minsi>, %select_n3A_127, %reduce_min3A_128 [1] : vector<64x8192xi32> to vector<64xi32>
      %broadcast_in_dim3A_130 = vector.shape_cast %reduce_min3A_129 : vector<64xi32> to vector<64x1xi32>
      %swap3A_131 = arith.constant 0 : index
      %swap3A_132 = arith.constant 2 : index
      %swap3A_133 = vector.load %arg7[%swap3A_131, %swap3A_132] : memref<64x8xf32, #tpu.memory_space<vmem>>, vector<64x1xf32>
      tpu.vector_store %arg7[%swap3A_131, %swap3A_132], %broadcast_in_dim3A_122 {strides = array<i32>} : memref<64x8xf32, #tpu.memory_space<vmem>>, vector<64x1xf32>,
      %swap3A_134 = arith.constant 0 : index
      %swap3A_135 = arith.constant 2 : index
      %swap3A_136 = vector.load %arg8[%swap3A_134, %swap3A_135] : memref<64x8xi32, #tpu.memory_space<vmem>>, vector<64x1xi32>
      tpu.vector_store %arg8[%swap3A_134, %swap3A_135], %broadcast_in_dim3A_130 {strides = array<i32>} : memref<64x8xi32, #tpu.memory_space<vmem>>, vector<64x1xi32>,
      %eq3A_137 = vector.broadcast %broadcast_in_dim3A_130 : vector<64x1xi32> to vector<64x8192xi32>
      %eq3A_138 = arith.cmpi eq, %iota3A, %eq3A_137 : vector<64x8192xi32>
      %jit3A_139 = arith.constant 0xFF800000 : f32
      %broadcast_in_dim3A_140 = vector.broadcast %jit3A_139 : f32 to vector<64x8192xf32>
      %select_n3A_141 = arith.select %eq3A_138, %broadcast_in_dim3A_140, %select_n3A_119 : vector<64x8192xi1>, vector<64x8192xf32>
      %reduce_max3A_142 = arith.constant dense<0xFF800000> : vector<64xf32>
      %reduce_max3A_143 = vector.multi_reduction <maximumf>, %select_n3A_141, %reduce_max3A_142 [1] : vector<64x8192xf32> to vector<64xf32>
      %broadcast_in_dim3A_144 = vector.shape_cast %reduce_max3A_143 : vector<64xf32> to vector<64x1xf32>
      %eq3A_145 = vector.broadcast %broadcast_in_dim3A_144 : vector<64x1xf32> to vector<64x8192xf32>
      %eq3A_146 = arith.cmpf oeq, %select_n3A_141, %eq3A_145 : vector<64x8192xf32>
      %jit3A_147 = arith.constant 8192 : i32
      %broadcast_in_dim3A_148 = vector.broadcast %jit3A_147 : i32 to vector<64x8192xi32>
      %select_n3A_149 = arith.select %eq3A_146, %iota3A, %broadcast_in_dim3A_148 : vector<64x8192xi1>, vector<64x8192xi32>
      %reduce_min3A_150 = arith.constant dense<2147483647> : vector<64xi32>
      %reduce_min3A_151 = vector.multi_reduction <minsi>, %select_n3A_149, %reduce_min3A_150 [1] : vector<64x8192xi32> to vector<64xi32>
      %broadcast_in_dim3A_152 = vector.shape_cast %reduce_min3A_151 : vector<64xi32> to vector<64x1xi32>
      %swap3A_153 = arith.constant 0 : index
      %swap3A_154 = arith.constant 3 : index
      %swap3A_155 = vector.load %arg7[%swap3A_153, %swap3A_154] : memref<64x8xf32, #tpu.memory_space<vmem>>, vector<64x1xf32>
      tpu.vector_store %arg7[%swap3A_153, %swap3A_154], %broadcast_in_dim3A_144 {strides = array<i32>} : memref<64x8xf32, #tpu.memory_space<vmem>>, vector<64x1xf32>,
      %swap3A_156 = arith.constant 0 : index
      %swap3A_157 = arith.constant 3 : index
      %swap3A_158 = vector.load %arg8[%swap3A_156, %swap3A_157] : memref<64x8xi32, #tpu.memory_space<vmem>>, vector<64x1xi32>
      tpu.vector_store %arg8[%swap3A_156, %swap3A_157], %broadcast_in_dim3A_152 {strides = array<i32>} : memref<64x8xi32, #tpu.memory_space<vmem>>, vector<64x1xi32>,
      %eq3A_159 = vector.broadcast %broadcast_in_dim3A_152 : vector<64x1xi32> to vector<64x8192xi32>
      %eq3A_160 = arith.cmpi eq, %iota3A, %eq3A_159 : vector<64x8192xi32>
      %jit3A_161 = arith.constant 0xFF800000 : f32
      %broadcast_in_dim3A_162 = vector.broadcast %jit3A_161 : f32 to vector<64x8192xf32>
      %select_n3A_163 = arith.select %eq3A_160, %broadcast_in_dim3A_162, %select_n3A_141 : vector<64x8192xi1>, vector<64x8192xf32>
      %reduce_max3A_164 = arith.constant dense<0xFF800000> : vector<64xf32>
      %reduce_max3A_165 = vector.multi_reduction <maximumf>, %select_n3A_163, %reduce_max3A_164 [1] : vector<64x8192xf32> to vector<64xf32>
      %broadcast_in_dim3A_166 = vector.shape_cast %reduce_max3A_165 : vector<64xf32> to vector<64x1xf32>
      %eq3A_167 = vector.broadcast %broadcast_in_dim3A_166 : vector<64x1xf32> to vector<64x8192xf32>
      %eq3A_168 = arith.cmpf oeq, %select_n3A_163, %eq3A_167 : vector<64x8192xf32>
      %jit3A_169 = arith.constant 8192 : i32
      %broadcast_in_dim3A_170 = vector.broadcast %jit3A_169 : i32 to vector<64x8192xi32>
      %select_n3A_171 = arith.select %eq3A_168, %iota3A, %broadcast_in_dim3A_170 : vector<64x8192xi1>, vector<64x8192xi32>
      %reduce_min3A_172 = arith.constant dense<2147483647> : vector<64xi32>
      %reduce_min3A_173 = vector.multi_reduction <minsi>, %select_n3A_171, %reduce_min3A_172 [1] : vector<64x8192xi32> to vector<64xi32>
      %broadcast_in_dim3A_174 = vector.shape_cast %reduce_min3A_173 : vector<64xi32> to vector<64x1xi32>
      %swap3A_175 = arith.constant 0 : index
      %swap3A_176 = arith.constant 4 : index
      %swap3A_177 = vector.load %arg7[%swap3A_175, %swap3A_176] : memref<64x8xf32, #tpu.memory_space<vmem>>, vector<64x1xf32>
      tpu.vector_store %arg7[%swap3A_175, %swap3A_176], %broadcast_in_dim3A_166 {strides = array<i32>} : memref<64x8xf32, #tpu.memory_space<vmem>>, vector<64x1xf32>,
      %swap3A_178 = arith.constant 0 : index
      %swap3A_179 = arith.constant 4 : index
      %swap3A_180 = vector.load %arg8[%swap3A_178, %swap3A_179] : memref<64x8xi32, #tpu.memory_space<vmem>>, vector<64x1xi32>
      tpu.vector_store %arg8[%swap3A_178, %swap3A_179], %broadcast_in_dim3A_174 {strides = array<i32>} : memref<64x8xi32, #tpu.memory_space<vmem>>, vector<64x1xi32>,
      %eq3A_181 = vector.broadcast %broadcast_in_dim3A_174 : vector<64x1xi32> to vector<64x8192xi32>
      %eq3A_182 = arith.cmpi eq, %iota3A, %eq3A_181 : vector<64x8192xi32>
      %jit3A_183 = arith.constant 0xFF800000 : f32
      %broadcast_in_dim3A_184 = vector.broadcast %jit3A_183 : f32 to vector<64x8192xf32>
      %select_n3A_185 = arith.select %eq3A_182, %broadcast_in_dim3A_184, %select_n3A_163 : vector<64x8192xi1>, vector<64x8192xf32>
      %reduce_max3A_186 = arith.constant dense<0xFF800000> : vector<64xf32>
      %reduce_max3A_187 = vector.multi_reduction <maximumf>, %select_n3A_185, %reduce_max3A_186 [1] : vector<64x8192xf32> to vector<64xf32>
      %broadcast_in_dim3A_188 = vector.shape_cast %reduce_max3A_187 : vector<64xf32> to vector<64x1xf32>
      %eq3A_189 = vector.broadcast %broadcast_in_dim3A_188 : vector<64x1xf32> to vector<64x8192xf32>
      %eq3A_190 = arith.cmpf oeq, %select_n3A_185, %eq3A_189 : vector<64x8192xf32>
      %jit3A_191 = arith.constant 8192 : i32
      %broadcast_in_dim3A_192 = vector.broadcast %jit3A_191 : i32 to vector<64x8192xi32>
      %select_n3A_193 = arith.select %eq3A_190, %iota3A, %broadcast_in_dim3A_192 : vector<64x8192xi1>, vector<64x8192xi32>
      %reduce_min3A_194 = arith.constant dense<2147483647> : vector<64xi32>
      %reduce_min3A_195 = vector.multi_reduction <minsi>, %select_n3A_193, %reduce_min3A_194 [1] : vector<64x8192xi32> to vector<64xi32>
      %broadcast_in_dim3A_196 = vector.shape_cast %reduce_min3A_195 : vector<64xi32> to vector<64x1xi32>
      %swap3A_197 = arith.constant 0 : index
      %swap3A_198 = arith.constant 5 : index
      %swap3A_199 = vector.load %arg7[%swap3A_197, %swap3A_198] : memref<64x8xf32, #tpu.memory_space<vmem>>, vector<64x1xf32>
      tpu.vector_store %arg7[%swap3A_197, %swap3A_198], %broadcast_in_dim3A_188 {strides = array<i32>} : memref<64x8xf32, #tpu.memory_space<vmem>>, vector<64x1xf32>,
      %swap3A_200 = arith.constant 0 : index
      %swap3A_201 = arith.constant 5 : index
      %swap3A_202 = vector.load %arg8[%swap3A_200, %swap3A_201] : memref<64x8xi32, #tpu.memory_space<vmem>>, vector<64x1xi32>
      tpu.vector_store %arg8[%swap3A_200, %swap3A_201], %broadcast_in_dim3A_196 {strides = array<i32>} : memref<64x8xi32, #tpu.memory_space<vmem>>, vector<64x1xi32>,
      %eq3A_203 = vector.broadcast %broadcast_in_dim3A_196 : vector<64x1xi32> to vector<64x8192xi32>
      %eq3A_204 = arith.cmpi eq, %iota3A, %eq3A_203 : vector<64x8192xi32>
      %jit3A_205 = arith.constant 0xFF800000 : f32
      %broadcast_in_dim3A_206 = vector.broadcast %jit3A_205 : f32 to vector<64x8192xf32>
      %select_n3A_207 = arith.select %eq3A_204, %broadcast_in_dim3A_206, %select_n3A_185 : vector<64x8192xi1>, vector<64x8192xf32>
      %reduce_max3A_208 = arith.constant dense<0xFF800000> : vector<64xf32>
      %reduce_max3A_209 = vector.multi_reduction <maximumf>, %select_n3A_207, %reduce_max3A_208 [1] : vector<64x8192xf32> to vector<64xf32>
      %broadcast_in_dim3A_210 = vector.shape_cast %reduce_max3A_209 : vector<64xf32> to vector<64x1xf32>
      %eq3A_211 = vector.broadcast %broadcast_in_dim3A_210 : vector<64x1xf32> to vector<64x8192xf32>
      %eq3A_212 = arith.cmpf oeq, %select_n3A_207, %eq3A_211 : vector<64x8192xf32>
      %jit3A_213 = arith.constant 8192 : i32
      %broadcast_in_dim3A_214 = vector.broadcast %jit3A_213 : i32 to vector<64x8192xi32>
      %select_n3A_215 = arith.select %eq3A_212, %iota3A, %broadcast_in_dim3A_214 : vector<64x8192xi1>, vector<64x8192xi32>
      %reduce_min3A_216 = arith.constant dense<2147483647> : vector<64xi32>
      %reduce_min3A_217 = vector.multi_reduction <minsi>, %select_n3A_215, %reduce_min3A_216 [1] : vector<64x8192xi32> to vector<64xi32>
      %broadcast_in_dim3A_218 = vector.shape_cast %reduce_min3A_217 : vector<64xi32> to vector<64x1xi32>
      %swap3A_219 = arith.constant 0 : index
      %swap3A_220 = arith.constant 6 : index
      %swap3A_221 = vector.load %arg7[%swap3A_219, %swap3A_220] : memref<64x8xf32, #tpu.memory_space<vmem>>, vector<64x1xf32>
      tpu.vector_store %arg7[%swap3A_219, %swap3A_220], %broadcast_in_dim3A_210 {strides = array<i32>} : memref<64x8xf32, #tpu.memory_space<vmem>>, vector<64x1xf32>,
      %swap3A_222 = arith.constant 0 : index
      %swap3A_223 = arith.constant 6 : index
      %swap3A_224 = vector.load %arg8[%swap3A_222, %swap3A_223] : memref<64x8xi32, #tpu.memory_space<vmem>>, vector<64x1xi32>
      tpu.vector_store %arg8[%swap3A_222, %swap3A_223], %broadcast_in_dim3A_218 {strides = array<i32>} : memref<64x8xi32, #tpu.memory_space<vmem>>, vector<64x1xi32>,
      %eq3A_225 = vector.broadcast %broadcast_in_dim3A_218 : vector<64x1xi32> to vector<64x8192xi32>
      %eq3A_226 = arith.cmpi eq, %iota3A, %eq3A_225 : vector<64x8192xi32>
      %jit3A_227 = arith.constant 0xFF800000 : f32
      %broadcast_in_dim3A_228 = vector.broadcast %jit3A_227 : f32 to vector<64x8192xf32>
      %select_n3A_229 = arith.select %eq3A_226, %broadcast_in_dim3A_228, %select_n3A_207 : vector<64x8192xi1>, vector<64x8192xf32>
      %reduce_max3A_230 = arith.constant dense<0xFF800000> : vector<64xf32>
      %reduce_max3A_231 = vector.multi_reduction <maximumf>, %select_n3A_229, %reduce_max3A_230 [1] : vector<64x8192xf32> to vector<64xf32>
      %broadcast_in_dim3A_232 = vector.shape_cast %reduce_max3A_231 : vector<64xf32> to vector<64x1xf32>
      %eq3A_233 = vector.broadcast %broadcast_in_dim3A_232 : vector<64x1xf32> to vector<64x8192xf32>
      %eq3A_234 = arith.cmpf oeq, %select_n3A_229, %eq3A_233 : vector<64x8192xf32>
      %jit3A_235 = arith.constant 8192 : i32
      %broadcast_in_dim3A_236 = vector.broadcast %jit3A_235 : i32 to vector<64x8192xi32>
      %select_n3A_237 = arith.select %eq3A_234, %iota3A, %broadcast_in_dim3A_236 : vector<64x8192xi1>, vector<64x8192xi32>
      %reduce_min3A_238 = arith.constant dense<2147483647> : vector<64xi32>
      %reduce_min3A_239 = vector.multi_reduction <minsi>, %select_n3A_237, %reduce_min3A_238 [1] : vector<64x8192xi32> to vector<64xi32>
      %broadcast_in_dim3A_240 = vector.shape_cast %reduce_min3A_239 : vector<64xi32> to vector<64x1xi32>
      %swap3A_241 = arith.constant 0 : index
      %swap3A_242 = arith.constant 7 : index
      %swap3A_243 = vector.load %arg7[%swap3A_241, %swap3A_242] : memref<64x8xf32, #tpu.memory_space<vmem>>, vector<64x1xf32>
      tpu.vector_store %arg7[%swap3A_241, %swap3A_242], %broadcast_in_dim3A_232 {strides = array<i32>} : memref<64x8xf32, #tpu.memory_space<vmem>>, vector<64x1xf32>,
      %swap3A_244 = arith.constant 0 : index
      %swap3A_245 = arith.constant 7 : index
      %swap3A_246 = vector.load %arg8[%swap3A_244, %swap3A_245] : memref<64x8xi32, #tpu.memory_space<vmem>>, vector<64x1xi32>
      tpu.vector_store %arg8[%swap3A_244, %swap3A_245], %broadcast_in_dim3A_240 {strides = array<i32>} : memref<64x8xi32, #tpu.memory_space<vmem>>, vector<64x1xi32>,
    } else {
    }
    return
  }
  func.func @transform_0(%arg0: i32) -> (i32, i32, i32) {
    %c0_i32 = arith.constant 0 : i32
    %c0_i32_0 = arith.constant 0 : i32
    %c0_i32_1 = arith.constant 0 : i32
    return %arg0, %c0_i32, %c0_i32_0 : i32, i32, i32
  }
  func.func @transform_1(%arg0: i32) -> (i32, i32) {
    %c0_i32 = arith.constant 0 : i32
    %c0_i32_0 = arith.constant 0 : i32
    %c0_i32_1 = arith.constant 0 : i32
    return %c0_i32, %c0_i32_0 : i32, i32
  }
  func.func @transform_2(%arg0: i32) -> (i32, i32) {
    %c0_i32 = arith.constant 0 : i32
    %c0_i32_0 = arith.constant 0 : i32
    %c0_i32_1 = arith.constant 0 : i32
    return %c0_i32, %c0_i32_0 : i32, i32
  }
  func.func @transform_3(%arg0: i32) -> (i32, i32) {
    %c0_i32 = arith.constant 0 : i32
    %c0_i32_0 = arith.constant 0 : i32
    %c0_i32_1 = arith.constant 0 : i32
    return %c0_i32, %c0_i32_0 : i32, i32
  }
  func.func @transform_4(%arg0: i32) -> (i32, i32) {
    %c0_i32 = arith.constant 0 : i32
    %c0_i32_0 = arith.constant 0 : i32
    %c0_i32_1 = arith.constant 0 : i32
    return %c0_i32, %c0_i32_0 : i32, i32
  }
  func.func @transform_5(%arg0: i32) -> (i32, i32) {
    %c0_i32 = arith.constant 0 : i32
    %c0_i32_0 = arith.constant 0 : i32
    %c0_i32_1 = arith.constant 0 : i32
    return %c0_i32, %c0_i32_0 : i32, i32
  }
  func.func @transform_6(%arg0: i32) -> (i32, i32) {
    %c0_i32 = arith.constant 0 : i32
    %c0_i32_0 = arith.constant 0 : i32
    %c0_i32_1 = arith.constant 0 : i32
    return %c0_i32, %c0_i32_0 : i32, i32
  }
  func.func @transform_7(%arg0: i32) -> (i32, i32) {
    %c0_i32 = arith.constant 0 : i32
    %c0_i32_0 = arith.constant 0 : i32
    %c0_i32_1 = arith.constant 0 : i32
    return %c0_i32, %c0_i32_0 : i32, i32
  }
}

</mosaic_0001>

<sc_bundles>
// kernel: kernel.4.cloned.1.call-start
scs
__scs_entry_jumppad:
0x0: {  	(pc) =	sbr.rel $0x88, $3  }
0x1: {  	(tag) =	ssettag $0x0;
	lr =	simm.s32 $0x1  }
0x2: {  	[smem:$0x3F9B] =	sst lr;
	_ =	strace $0xD0000000  }
0x3: {  	_ = 	snop  }
0x4: {  	_ = 	snop  }
0x5: {  	_ = 	snop  }
0x6: {  	_ = 	snop  }
0x7: {  	_ = 	snop  }
__scs_overlays_trampoline_lowered:
0x8: {  	[smem:$0x3FAA] =	sst s0  }
0x9: {  	[smem:$0x3FAB] =	sst s1  }
0xa: {  	[smem:$0x3FAC] =	sst s2  }
0xb: {  	[smem:$0x3FAD] =	sst s3  }
0xc: {  	[smem:$0x3FAE] =	sst s4  }
0xd: {  	[smem:$0x3FAF] =	sst s5  }
0xe: {  	[smem:$0x3FB0] =	sst s6  }
0xf: {  	[smem:$0x3FB1] =	sst s7  }
0x10: {  	[smem:$0x3FB2] =	sst s8  }
0x11: {  	[smem:$0x3FB3] =	sst s9;
	s0 =	simm.s32 @!p0 $0x0  }
0x12: {  	s1 =	sld [smem:$0x3F99];
	s0 =	simm.s32 @p0 $0x1  }
0x13: {  	[smem:$0x3FB4] =	sst s0;
	s0 =	simm.s32 @!p1 $0x0  }
0x14: {  	s2 =	sld [smem:$0x3F98];
	s0 =	simm.s32 @p1 $0x1  }
0x15: {  	[smem:$0x3FB5] =	sst s0;
	s0 =	simm.s32 @!p2 $0x0  }
0x16: {  	s3 =	sld [smem:$0x3FDB];
	s0 =	simm.s32 @p2 $0x1  }
0x17: {  	s4 =	simm.s32 $0x1BF5;
	[smem:$0x3FB7] =	sst s0  }
0x18: {  	s0 =	sld [smem:$0x3F9A];
	_ =	swait.ge [sflag:s4], $0x0  }
0x19: {  	s7 =	sld [smem:$0x3F9B]  }
0x1a: {  	s8 =	sadd.s32 $0xFFFFE003, lr  }
0x1b: {  	s9 =	sadd.s32 $0xFFFFFEF7, lr;
	s5 =	simm.s32 $0xFFFFFFFF;
	p2 =	slt.u32 s8, $0xFFFFF086  }
0x1c: {  	p1 =	slt.u32 s9, $0xF7A;
	s5 =	simm.s32 @!p2 $0x0  }
0x1d: {  	s5 =	simm.s32 @p1 $0x1;
	p0 =	seq.s32 s7, s2  }
0x1e: {  	s7 =	smul.u32 @!p0 $0xF7A, s2;
	p2 =	seq.s32 @!p0 s5, $0x0  }
0x1f: {  	s9 =	smul.u32 $0xF7A, s1;
	s8 =	simm.s32 @!p0 $0x1BF5;
	p2 =	por !p2, p0  }
0x20: {  	[sflag:s8] =	ssyncset.s32 @!p0 $0xFFFFF086;
	s6 =	sadd.s32 @!p0 s3, s7;
	s7 =	simm.s32 @!p0 $0x108  }
0x21: {  	s3 =	sadd.s32 s3, s9;
	s6 =	sadd.s32 @!p0 $0x88, s6;
	s7 =	simm.s32 @p2 $0x1082  }
0x22: {  	[simem:s7], [sflag:s8] =	dma.local @!p0 [hbm:s6], $0xF7A  }
0x23: {  	s9 =	sor.u32 $0xD0000000, s2;
	s6 =	simm.s32 $0x108;
	_ =	swait.ge @!p0 [sflag:s8], $0x0  }
0x24: {  	s3 =	sadd.s32 $0x88, s3;
	s6 =	simm.s32 @!p1 $0x1082;
	[sflag:s4] =	ssyncset.s32 $0xFFFFF086  }
0x25: {  	[simem:s6], [sflag:s4] =	dma.local [hbm:s3], $0xF7A  }
0x26: {  	[smem:$0x3F9B] =	sst s1;
	(tag) =	ssettag s2;
	_ =	strace s9  }
0x27: {  	s1 =	sld [smem:$0x3FAB]  }
0x28: {  	s2 =	sld [smem:$0x3FAC]  }
0x29: {  	s4 =	sld [smem:$0x3FAE]  }
0x2a: {  	p0 =	seq.s32 s5, $0x0;
	s5 =	sld [smem:$0x3FAF]  }
0x2b: {  	s6 =	sld [smem:$0x3FB0]  }
0x2c: {  	s7 =	sld [smem:$0x3FB1]  }
0x2d: {  	s3 =	simm.s32 $0x108;
	s8 =	sld [smem:$0x3FB2]  }
0x2e: {  	s3 =	simm.s32 @!p0 $0x1082;
	s9 =	sld [smem:$0x3FB3]  }
0x2f: {  	lr =	sadd.s32 s0, s3;
	s0 =	sld [smem:$0x3FAA]  }
0x30: {  	s3 =	sld [smem:$0x3FAD]  }
0x31: {  	[smem:$0x3FB6] =	sst s10  }
0x32: {  	s10 =	sld [smem:$0x3FB4];
	_ =	sdelay $0x3  }
0x33: {  	p0 =	seq.s32 s10, $0x1;
	s10 =	sld [smem:$0x3FB6];
	_ =	sdelay $0x3  }
0x34: {  	[smem:$0x3FB6] =	sst s10  }
0x35: {  	s10 =	sld [smem:$0x3FB5];
	_ =	sdelay $0x3  }
0x36: {  	p1 =	seq.s32 s10, $0x1;
	s10 =	sld [smem:$0x3FB6];
	_ =	sdelay $0x3  }
0x37: {  	[smem:$0x3FB6] =	sst s10  }
0x38: {  	s10 =	sld [smem:$0x3FB7]  }
0x39: {  	_ = 	snop;
	(pc) =	sbr.ind lr, $3  }
0x3a: {  	_ = 	snop  }
0x3b: {  	_ = 	snop  }
0x3c: {  	p2 =	seq.s32 s10, $0x1;
	s10 =	sld [smem:$0x3FB6]  }
0x3d: {  	_ =	shalt  }
0x3e: {  	_ =	shalt  }
0x3f: {  	_ =	shalt  }
0x40: {  	_ =	shalt  }
0x41: {  	_ =	shalt  }
0x42: {  	_ =	shalt  }
0x43: {  	_ =	shalt  }
0x44: {  	_ =	shalt  }
0x45: {  	_ =	shalt  }
0x46: {  	_ =	shalt  }
0x47: {  	_ =	shalt  }
0x48: {  	_ =	shalt  }
0x49: {  	_ =	shalt  }
0x4a: {  	_ =	shalt  }
0x4b: {  	_ =	shalt  }
0x4c: {  	_ =	shalt  }
0x4d: {  	_ =	shalt  }
0x4e: {  	_ =	shalt  }
0x4f: {  	_ =	shalt  }
0x50: {  	_ =	shalt  }
0x51: {  	_ =	shalt  }
0x52: {  	_ =	shalt  }
0x53: {  	_ =	shalt  }
0x54: {  	_ =	shalt  }
0x55: {  	_ =	shalt  }
0x56: {  	_ =	shalt  }
0x57: {  	_ =	shalt  }
0x58: {  	_ =	shalt  }
0x59: {  	_ =	shalt  }
0x5a: {  	_ =	shalt  }
0x5b: {  	_ =	shalt  }
0x5c: {  	_ =	shalt  }
0x5d: {  	_ =	shalt  }
0x5e: {  	_ =	shalt  }
0x5f: {  	_ =	shalt  }
0x60: {  	_ =	shalt  }
0x61: {  	_ =	shalt  }
0x62: {  	_ =	shalt  }
0x63: {  	_ =	shalt  }
0x64: {  	_ =	shalt  }
0x65: {  	_ =	shalt  }
0x66: {  	_ =	shalt  }
0x67: {  	_ =	shalt  }
0x68: {  	_ =	shalt  }
0x69: {  	_ =	shalt  }
0x6a: {  	_ =	shalt  }
0x6b: {  	_ =	shalt  }
0x6c: {  	_ =	shalt  }
0x6d: {  	_ =	shalt  }
0x6e: {  	_ =	shalt  }
0x6f: {  	_ =	shalt  }
0x70: {  	_ =	shalt  }
0x71: {  	_ =	shalt  }
0x72: {  	_ =	shalt  }
0x73: {  	_ =	shalt  }
0x74: {  	_ =	shalt  }
0x75: {  	_ =	shalt  }
0x76: {  	_ =	shalt  }
0x77: {  	_ =	shalt  }
0x78: {  	_ =	shalt  }
0x79: {  	_ =	shalt  }
0x7a: {  	_ =	shalt  }
0x7b: {  	_ =	shalt  }
0x7c: {  	_ =	shalt  }
0x7d: {  	_ =	shalt  }
0x7e: {  	_ =	shalt  }
0x7f: {  	_ =	shalt  }
0x80: {  	_ =	shalt  }
0x81: {  	_ =	shalt  }
0x82: {  	_ =	shalt  }
0x83: {  	_ =	shalt  }
0x84: {  	_ =	shalt  }
0x85: {  	_ =	shalt  }
0x86: {  	_ =	shalt  }
0x87: {  	_ =	shalt  }
.Lfunc_end0:
.L_simem_size_0:
called_computation_lowered:
.L_overlay_start_0:
0x88: {  	s2 =	sld [smem:$0x3FD9]  }
0x89: {  	s3 =	sld [smem:$0x3FFE];
	_ =	sdelay $0x1  }
0x8a: {  	s1 =	srdreg.scid  }
0x8b: {  	s0 =	sand.u32 $0x1, s1  }
0x8c: {  	s14 =	sshll.u32 s0, $0xA;
	s2 =	sadd.s32 s3, s2  }
0x8d: {  	s2 =	sadd.s32 s2, s14  }
0x8e: {  	[smem:$0x3FC2] =	sst s2  }
0x8f: {  	_ = 	snop  }
0x90: {  	s2 =	sld [smem:$0x3FD0];
	_ =	sdelay $0x2  }
0x91: {  	s4 =	simm.s32 $0xA;
	s5 =	simm.s32 $0x10;
	s15 =	sld [smem:$0x3FC8]  }
0x92: {  	[smem:s5], [sflag:s4] =	dma.local [hbm:s2], $0x1  }
0x93: {  	_ =	swait.eq [sflag:s4], $0x1  }
0x94: {  	[sflag:s4] =	ssyncset.done $0x0  }
0x95: {  	[sflag:s4] =	ssyncadd.s32 $0xFFFFFFFF  }
0x96: {  	s16 =	sld [smem:$0x10];
	(tm) =	ssettm $0x1  }
0x97: {  	s17 =	sld [smem:$0x3FFB];
	_ =	sdelay $0x3  }
0x98: {  	_ =	strace s17  }
0x99: {  	s4 =	sld [smem:$0x3FFC];
	_ =	sdelay $0x3  }
0x9a: {  	_ =	strace s4  }
0x9b: {  	s4 =	sld [smem:$0x3FFD];
	_ =	sdelay $0x3  }
0x9c: {  	_ =	strace s4  }
0x9d: {  	_ =	strace $0x8FFFFFFF  }
0x9e: {  	s18 =	sld [smem:$0x3FDB];
	_ =	sdelay $0x1  }
0x9f: {  	s19 =	simm.s32 $_scs_section_size  }
0xa0: {  	s6 =	simm.s32 $_size__tile_overlayer_lowered;
	s7 =	simm.s32 $_tile_overlayer_lowered  }
0xa1: {  	s22 =	simm.s32 $0x1BFF;
	s21 =	sshll.u32 s7, $0x1;
	s4 =	sadd.s32 s19, s18  }
0xa2: {  	s8 =	simm.s32 $0x0;
	s20 =	sshll.u32 s6, $0x1;
	s6 =	sadd.s32 s21, s4  }
0xa3: {  	[timem:s8], [sflag:s22] =	dma.local [hbm:s6], s20  }
0xa4: {  	_ =	swait.ge [sflag:s22], s20  }
0xa5: {  	s5 =	ssub.s32 $0x0, s20;
	[sflag:s22] =	ssyncset.done $0x0  }
0xa6: {  	[sflag:s22] =	ssyncadd.s32 s5;
	_ =	sdelay $0x1  }
0xa7: {  	s23 =	simm.s32 $0x1B8B  }
0xa8: {  	_ =	swait.ge [sflag:s23], $0x1  }
0xa9: {  	[sflag:s23] =	ssyncset.done $0x0  }
0xaa: {  	s25 =	simm.s32 $0x1B8E;
	s24 =	sld [smem:$0x3FFE];
	[sflag:s23] =	ssyncadd.s32 $0xFFFFFFFF  }
0xab: {  	s26 =	simm.s32 $execute0_lowered;
	[smem:$0x3FD2] =	sst s25  }
0xac: {  	s6 =	sshll.u32 s26, $0x1;
	_ =	strace $0x80000046;
	[dreg:$0x1] =	wrdreg $0xFFFFFFFF  }
0xad: {  	s28 =	simm.s32 $_size_execute0_lowered;
	s4 =	sadd.s32 s4, s6;
	[dreg:$0x0] =	wrdreg $0x0  }
0xae: {  	s6 =	sshll.u32 s28, $0x1;
	[dreg:$0x2] =	wrdreg s4  }
0xaf: {  	[dreg:$0x3] =	wrdreg s6  }
0xb0: {  	[dreg:$0x4] =	wrdreg $0xC0  }
0xb1: {  	_ =	task [dreg:s8], $0x5FFFF  }
0xb2: {  	[dreg:$0x1] =	wrdreg $0xFFFFFFFF  }
0xb3: {  	[dreg:$0x0] =	wrdreg $0x60  }
0xb4: {  	[dreg:$0x2] =	wrdreg s15  }
0xb5: {  	[dreg:$0x3] =	wrdreg s24  }
0xb6: {  	[dreg:$0x4] =	wrdreg s16  }
0xb7: {  	[dreg:$0x5] =	wrdreg $0x9  }
0xb8: {  	_ =	task.clear_ibuf [dreg:s8], $0x6FFFF;
	_ =	strace $0x90000046  }
0xb9: {  	s29 =	simm.s32 $0x9;
	_ =	strace $0x80000048  }
0xba: {  	_ =	swait.ge [sflag:s29], $0x1  }
0xbb: {  	[sflag:s29] =	ssyncadd.s32 $0xFFFFFFFF  }
0xbc: {  	_ =	strace $0x90000048  }
0xbd: {  	_ =	sfence  }
0xbe: {  	s30 =	sld [smem:$0x0];
	_ =	sdelay $0x2  }
0xbf: {  	s31 =	sshll.u32 s1, $0xD;
	s1 =	sshrl.u32 s1, $0x2  }
0xc0: {  	s3 =	sand.u32 $0x4000, s31;
	s1 =	sadd.s32 s1, s30  }
0xc1: {  	s0 =	sor.u32 s3, s0;
	s1 =	sshll.u32 s1, $0x11  }
0xc2: {  	s0 =	sor.u32 s1, s0  }
0xc3: {  	s0 =	sadd.s32 $0x8F2B, s0  }
0xc4: {  	[sflag:s0] =	ssyncadd.remote.s32 $0x1  }
0xc5: {  	_ =	sfence.sel $0xFFFF  }
0xc6: {  	[dreg:$0x0] =	wrdreg $0xFFFFFFFF;
	(pc) =	sbr.abs _section_cstart, $3  }
0xc7: {  	[dreg:$0x1] =	wrdreg $0xFFFFFFFF  }
0xc8: {  	_ =	task.clear_ibuf [dreg:s8], $0x2FFFF;
	_ =	strace $0x9FFFFFFF  }
0xc9: {  	(tm) =	ssettm $0x7FFFFFFF  }
tec
execute0_lowered:
.L_overlay_start_1:
0x0: {  	(tag) =	ssettag $0x1  }
0x1: {  	s1 =	rddreg [dreg:$0x0]  }
0x2: {  	s4 =	rddreg [dreg:$0x1]  }
0x3: {  	s7 =	rddreg [dreg:$0x2]  }
0x4: {  	s0 =	rddreg [dreg:$0x3];
	s3 =	simm.s32 $0x0;
	s5 =	srdreg.scid  }
0x5: {  	s2 =	stileid.u32;
	s11 =	simm.s32 $0x1;
	s5 =	sand.u32 $0x1, s5  }
0x6: {  	[smem:$0x7FF] =	sst s3;
	s8 =	sshll.u32 s2, $0x5;
	s6 =	ssub.s32 $0x2, s5  }
0x7: {  	s28 =	sadd.s32 $0x1200, s4;
	s5 =	sshll.u32 s5, $0x4;
	s9 =	sshrl.u32 s6, $0x1  }
0x8: {  	_ =	strace $0x80000047;
	s5 =	sor.u32 s5, s8;
	s9 =	ssub.s32 s6, s9  }
0x9: {  	s29 =	sshrl.u32 s5, $0x3;
	s30 =	sshll.u32 s5, $0xA;
	s10 =	sor.u32 $0x8, s5  }
0xa: {  	s4 =	sadd.s32 s28, s29;
	s5 =	sadd.s32 s7, s30;
	s31 =	sshrl.u32 s10, $0x3  }
0xb: {  	s10 =	sshll.u32 s10, $0xA;
	s8 =	smax.u32 s9, $0x1;
	s9 =	simm.s32 $0x2  }
0xc: {  	vm0 =	vmmov $0xff;
	v0 =	vlaneseq.u32;
	s6 =	sadd.s32 s28, s31;
	s7 =	sadd.s32 s7, s10;
	s10 =	simm.s32 $0x80  }
.LBB2_1:
0xd: {  	[tilespmem:s3], [sflag:$0x2] =	stream.linear.gather [hbm4b:s4+s3], $0x8, $0x38;
	[tilespmem:$0x10080] =	vst v63  }
0xe: {  	_ =	swait.ge [sflag:s9], $0x8  }
0xf: {  	[sflag:s9] =	ssyncset.done $0x0  }
0x10: {  	[sflag:s9] =	ssyncadd.s32 $0xFFFFFFF8  }
0x11: {  	v1 =	vld.msk [tilespmem:$0x0], $0xff;
	_ =	sdelay $0x4  }
0x12: {  	v1 =	vshll.u32 v1, $0xD  }
0x13: {  	v1 =	vperm.xlane v1, v0;
	_ =	sdelay $0x5  }
0x14: {  	[tilespmem:s10], [sflag:$0x1] =	stream.indirect_vreg.gather [hbm4b:s1+s3], $0x2000, v1, vm0, $0x38;
	[tilespmem:$0x10080] =	vst v63  }
0x15: {  	_ =	swait.ge [sflag:s11], $0x10000  }
0x16: {  	[sflag:s11] =	ssyncset.done $0x0  }
0x17: {  	[sflag:s11] =	ssyncadd.s32 $0xFFFF0000  }
0x18: {  	[hbm4b:s5+s3] =	stream.linear.scatter [tilespmem:s10], [sflag:$0x2], $0x10000, $0x38;
	[tilespmem:$0x10080] =	vst v63  }
0x19: {  	_ =	swait.ge [sflag:s9], $0x10000  }
0x1a: {  	[sflag:s9] =	ssyncset.done $0x0  }
0x1b: {  	[sflag:s9] =	ssyncadd.s32 $0xFFFF0000  }
0x1c: {  	[tilespmem:s3], [sflag:$0x2] =	stream.linear.gather [hbm4b:s6+s3], $0x8, $0x38;
	[tilespmem:$0x10080] =	vst v63  }
0x1d: {  	_ =	swait.ge [sflag:s9], $0x8  }
0x1e: {  	[sflag:s9] =	ssyncset.done $0x0  }
0x1f: {  	[sflag:s9] =	ssyncadd.s32 $0xFFFFFFF8  }
0x20: {  	v1 =	vld.msk [tilespmem:$0x0], $0xff;
	_ =	sdelay $0x4  }
0x21: {  	v1 =	vshll.u32 v1, $0xD  }
0x22: {  	v1 =	vperm.xlane v1, v0;
	_ =	sdelay $0x5  }
0x23: {  	[tilespmem:s10], [sflag:$0x1] =	stream.indirect_vreg.gather [hbm4b:s1+s3], $0x2000, v1, vm0, $0x38;
	[tilespmem:$0x10080] =	vst v63  }
0x24: {  	_ =	swait.ge [sflag:s11], $0x10000  }
0x25: {  	p0 =	sne.s32 s8, $0x1;
	[sflag:s11] =	ssyncset.done $0x0  }
.Ltmp0:
0x26: {  	[sflag:s11] =	ssyncadd.s32 $0xFFFF0000;
	(pc) =	sbr.rel @p0 .LBB2_1-.Ltmp0, $4  }
0x27: {  	[hbm4b:s7+s3] =	stream.linear.scatter [tilespmem:s10], [sflag:$0x2], $0x10000, $0x38;
	[tilespmem:$0x10080] =	vst v63  }
0x28: {  	_ =	swait.ge [sflag:s9], $0x10000  }
0x29: {  	[sflag:s9] =	ssyncset.done $0x0  }
0x2a: {  	s8 =	sadd.s32 $0xFFFFFFFF, s8;
	[sflag:s9] =	ssyncadd.s32 $0xFFFF0000  }
0x2b: {  	_ =	sfence.sel $0x180000  }
0x2c: {  	[bflag:$0x0] =	sbarrier.arrive $0xFFFF  }
0x2d: {  	p0 =	sne.s32 s2, $0x0;
	_ =	strace $0x90000047  }
0x2e: {  	s0 =	sadd.s32 @!p0 $0x100000, s0;
	[bflag:$0x2] =	sbarrier.arrive $0xFFFF  }
0x2f: {  	[sflag:s0] =	ssyncadd.tile.s32 @!p0 $0x1;
	_ =	shalt  }
.Lfunc_end2:
_tile_overlayer_lowered:
.L_overlay_start_2:
0x30: {  	(tag) =	ssettag $0x2  }
0x31: {  	s0 =	rddreg [dreg:$0x0];
	s2 =	stileid.u32  }
0x32: {  	s1 =	rddreg [dreg:$0x1];
	p0 =	sne.s32 s2, $0x0  }
0x33: {  	s3 =	rddreg [dreg:$0x2];
	[bflag:$0x3] =	sbarrier.arrive $0xFFFF;
	s2 =	simm.s32 @!p0 $0x1C02  }
0x34: {  	[timem:s3], [sflag:s2] =	dma.local @!p0 [hbm:s0], s1  }
0x35: {  	s0 =	simm.s32 @!p0 $0x2  }
0x36: {  	_ =	swait.ge @!p0 [sflag:s0], s1  }
0x37: {  	s1 =	ssub.s32 @!p0 $0x0, s1;
	[sflag:s0] =	ssyncset.done @!p0 $0x0  }
0x38: {  	[sflag:s0] =	ssyncadd.s32 @!p0 s1  }
0x39: {  	[bflag:$0x3] =	sbarrier.arrive $0xFFFF  }
0x3a: {  	_ =	shalt  }

</sc_bundles>
